<compile_context>
chip_gen: v7x
topology: tpu7x:2x2x1
jax: 0.10.2.dev20260603
libtpu: 0.0.44.dev20260713+nightly
codegen_flags: <defaults>
</compile_context>

<pallas_src>
import functools
import jax
import jax.numpy as jnp
from jax import lax
from jax.experimental import pallas as pl
from jax.experimental.pallas import tpu as pltpu
from jax.experimental.pallas import tpu_sc as plsc

BATCH = 64
EMBED_DIM = 768
NUM_PATCHES = 1024
NWORKERS = 32
E_PER_W = EMBED_DIM // NWORKERS
LANES = 16


def _tbody(pos_ref, out_ref):
    out_ref[...] = pos_ref[...].T


def _transpose_table(pos_table):
    return pl.pallas_call(
        _tbody,
        out_shape=jax.ShapeDtypeStruct((EMBED_DIM, NUM_PATCHES), jnp.float32),
    )(pos_table)


def _sc_body(patch_hbm, pos_t_hbm, out_hbm, pos_v, buf_v, sem):
    wid = lax.axis_index("s") * 2 + lax.axis_index("c")

    def e_loop(i, carry):
        e = wid * E_PER_W + i
        pltpu.sync_copy(pos_t_hbm.at[e], pos_v)
        pltpu.async_copy(patch_hbm.at[:, e, :], buf_v, sem).wait()

        def chunk_loop(j, c2):
            pv = pos_v[pl.ds(j * LANES, LANES)]

            def b_loop(b, c3):
                sl = pl.ds(j * LANES, LANES)
                buf_v[b, sl] = buf_v[b, sl] + pv
                return c3

            return lax.fori_loop(0, BATCH, b_loop, c2)

        lax.fori_loop(0, NUM_PATCHES // LANES, chunk_loop, carry)
        pltpu.sync_copy(buf_v, out_hbm.at[:, e, :])
        return carry

    lax.fori_loop(0, E_PER_W, e_loop, 0)


def kernel(patch, pos_table):
    pos_t = _transpose_table(pos_table)
    mesh = plsc.VectorSubcoreMesh(core_axis_name="c", subcore_axis_name="s")
    k = functools.partial(
        pl.kernel,
        mesh=mesh,
        out_type=jax.ShapeDtypeStruct((BATCH, EMBED_DIM, NUM_PATCHES), jnp.float32),
        scratch_types=[
            pltpu.VMEM((NUM_PATCHES,), jnp.float32),
            pltpu.VMEM((BATCH, NUM_PATCHES), jnp.float32),
            pltpu.SemaphoreType.DMA,
        ],
    )(_sc_body)
    return k(patch, pos_t)

# --- scband reference (transcript-rebuilt; emitter-appended) ---
"""Pipeline reference for scband-col-patch-encoder-86414741995812 (READ-ONLY COPY).

The authoritative reference and input builder live on the scoring server;
editing this copy changes nothing except your own understanding.
"""

import jax, jax.numpy as jnp
import numpy as np

NUM_PATCHES = 1024
EMBED_DIM = 768
BATCH = 64


def setup_inputs(seed: int = 0) -> dict:
    key = jax.random.key(seed)
    k1, k2 = jax.random.split(key)
    patch = jax.random.normal(k1, (BATCH, EMBED_DIM, NUM_PATCHES), dtype=jnp.float32)
    # learned position-embedding table (one row per position, per intended semantics
    # of a patch encoder; the original keras code declared input_dim=1 by bug)
    pos_table = jax.random.normal(k2, (NUM_PATCHES, EMBED_DIM), dtype=jnp.float32) * 0.02
    return {"patch": patch, "pos_table": pos_table}


def reference(patch, pos_table):
    # positions = tf.range(0, num_patches)
    positions = jnp.arange(NUM_PATCHES)
    # embedding lookup: [num_patches, embed_dim]
    pos_emb = jnp.take(pos_table, positions, axis=0)
    # tf.transpose(..., perm=[1, 0]) -> [embed_dim, num_patches], broadcast-add over batch
    encoded = patch + jnp.transpose(pos_emb, (1, 0))
    return encoded

if __name__ == "__main__":
    import jax
    _d = setup_inputs()
    print(jax.jit(kernel)(*tuple(_d.values())))

</pallas_src>

<mosaic_0001>
#map = affine_map<(d0, d1) -> (0, 0, 0)>
#map1 = affine_map<(d0, d1) -> (0, 0)>
module attributes {stable_mosaic.version = 14 : i64} {
  func.func @_sc_body(%arg0: i32, %arg1: i32, %arg2: memref<64x768x1024xf32, #tpu.memory_space<hbm>>, %arg3: memref<768x1024xf32, #tpu.memory_space<hbm>>, %arg4: memref<64x768x1024xf32, #tpu.memory_space<hbm>>, %arg5: memref<1024xf32, #tpu.memory_space<vmem>>, %arg6: memref<64x1024xf32, #tpu.memory_space<vmem>>, %arg7: memref<!tpu.dma_semaphore, #tpu.memory_space<semaphore_mem>>) attributes {dimension_semantics = [#tpu.dimension_semantics<core_parallel>, #tpu.dimension_semantics<subcore_parallel>], iteration_bounds = array<i64: 2, 16>, scalar_prefetch = 0 : i64, scratch_operands = 3 : i64, tpu.core_type = #tpu.core_type<sc_vector_subcore>, window_params = [{transform_indices = #map}, {transform_indices = #map1}, {transform_indices = #map}]} {
    %mul3A = arith.constant 2 : i32
    %mul3A_0 = arith.muli %arg1, %mul3A : i32
    %add3A = arith.addi %mul3A_0, %arg0 : i32
    %scan3A = arith.constant 0 : i32
    %scan3A_1 = arith.constant 0 : i32
    %scan3A_2 = arith.constant 24 : i32
    %scan3A_3 = arith.addi %scan3A_1, %scan3A_2 : i32
    %scan3A_4 = arith.constant 1 : i32
    scf.for %scan3A_6 = %scan3A_1 to %scan3A_3 step %scan3A_4  : i32 {
      %mul3A_7 = arith.constant 24 : i32
      %mul3A_8 = arith.muli %add3A, %mul3A_7 : i32
      %add3A_9 = arith.addi %mul3A_8, %scan3A_6 : i32
      "tpu.region"() ({
        %run_scoped3A = tpu.sem_alloc : memref<!tpu.dma_semaphore, #tpu.memory_space<semaphore_mem>>
        %dma_start3A_29 = arith.constant 0 : i32
        %dma_start3A_30 = tpu.memref_slice %arg3[%add3A_9, %dma_start3A_29] : memref<768x1024xf32, #tpu.memory_space<hbm>> -> memref<1x1024xf32, #tpu.memory_space<hbm>>
        %dma_start3A_31 = tpu.memref_squeeze %dma_start3A_30 : memref<1x1024xf32, #tpu.memory_space<hbm>> -> memref<1024xf32, #tpu.memory_space<hbm>>
        %dma_start3A_32 = arith.constant 0 : i32
        %dma_start3A_33 = tpu.memref_slice %arg3[%add3A_9, %dma_start3A_32] : memref<768x1024xf32, #tpu.memory_space<hbm>> -> memref<1x1024xf32, #tpu.memory_space<hbm>>
        %dma_start3A_34 = tpu.memref_squeeze %dma_start3A_33 : memref<1x1024xf32, #tpu.memory_space<hbm>> -> memref<1024xf32, #tpu.memory_space<hbm>>
        tpu.enqueue_dma source(%dma_start3A_34 : memref<1024xf32, #tpu.memory_space<hbm>>) target(%arg5 : memref<1024xf32, #tpu.memory_space<vmem>>) target_semaphore(%run_scoped3A : memref<!tpu.dma_semaphore, #tpu.memory_space<semaphore_mem>>)
        %dma_wait3A_35 = arith.constant 0 : i32
        %dma_wait3A_36 = tpu.memref_slice %arg3[%add3A_9, %dma_wait3A_35] : memref<768x1024xf32, #tpu.memory_space<hbm>> -> memref<1x1024xf32, #tpu.memory_space<hbm>>
        %dma_wait3A_37 = tpu.memref_squeeze %dma_wait3A_36 : memref<1x1024xf32, #tpu.memory_space<hbm>> -> memref<1024xf32, #tpu.memory_space<hbm>>
        %dma_wait3A_38 = arith.constant 0 : i32
        %dma_wait3A_39 = tpu.memref_slice %arg3[%add3A_9, %dma_wait3A_38] : memref<768x1024xf32, #tpu.memory_space<hbm>> -> memref<1x1024xf32, #tpu.memory_space<hbm>>
        %dma_wait3A_40 = tpu.memref_squeeze %dma_wait3A_39 : memref<1x1024xf32, #tpu.memory_space<hbm>> -> memref<1024xf32, #tpu.memory_space<hbm>>
        tpu.wait_dma2 semaphore(%run_scoped3A : memref<!tpu.dma_semaphore, #tpu.memory_space<semaphore_mem>>) src(%dma_wait3A_40 : memref<1024xf32, #tpu.memory_space<hbm>>) dst(%arg5 : memref<1024xf32, #tpu.memory_space<vmem>>)
        tpu.yield
      }) : () -> ()
      %dma_start3A = arith.constant 0 : i32
      %dma_start3A_10 = arith.constant 0 : i32
      %dma_start3A_11 = tpu.memref_slice %arg2[%dma_start3A, %add3A_9, %dma_start3A_10] : memref<64x768x1024xf32, #tpu.memory_space<hbm>> -> memref<64x1x1024xf32, #tpu.memory_space<hbm>>
      %dma_start3A_12 = tpu.memref_squeeze %dma_start3A_11 : memref<64x1x1024xf32, #tpu.memory_space<hbm>> -> memref<64x1024xf32, #tpu.memory_space<hbm>>
      %dma_start3A_13 = arith.constant 0 : i32
      %dma_start3A_14 = arith.constant 0 : i32
      %dma_start3A_15 = tpu.memref_slice %arg2[%dma_start3A_13, %add3A_9, %dma_start3A_14] : memref<64x768x1024xf32, #tpu.memory_space<hbm>> -> memref<64x1x1024xf32, #tpu.memory_space<hbm>>
      %dma_start3A_16 = tpu.memref_squeeze %dma_start3A_15 : memref<64x1x1024xf32, #tpu.memory_space<hbm>> -> memref<64x1024xf32, #tpu.memory_space<hbm>>
      tpu.enqueue_dma source(%dma_start3A_16 : memref<64x1024xf32, #tpu.memory_space<hbm>>) target(%arg6 : memref<64x1024xf32, #tpu.memory_space<vmem>>) target_semaphore(%arg7 : memref<!tpu.dma_semaphore, #tpu.memory_space<semaphore_mem>>)
      %dma_wait3A = arith.constant 0 : i32
      %dma_wait3A_17 = arith.constant 0 : i32
      %dma_wait3A_18 = tpu.memref_slice %arg2[%dma_wait3A, %add3A_9, %dma_wait3A_17] : memref<64x768x1024xf32, #tpu.memory_space<hbm>> -> memref<64x1x1024xf32, #tpu.memory_space<hbm>>
      %dma_wait3A_19 = tpu.memref_squeeze %dma_wait3A_18 : memref<64x1x1024xf32, #tpu.memory_space<hbm>> -> memref<64x1024xf32, #tpu.memory_space<hbm>>
      %dma_wait3A_20 = arith.constant 0 : i32
      %dma_wait3A_21 = arith.constant 0 : i32
      %dma_wait3A_22 = tpu.memref_slice %arg2[%dma_wait3A_20, %add3A_9, %dma_wait3A_21] : memref<64x768x1024xf32, #tpu.memory_space<hbm>> -> memref<64x1x1024xf32, #tpu.memory_space<hbm>>
      %dma_wait3A_23 = tpu.memref_squeeze %dma_wait3A_22 : memref<64x1x1024xf32, #tpu.memory_space<hbm>> -> memref<64x1024xf32, #tpu.memory_space<hbm>>
      tpu.wait_dma2 semaphore(%arg7 : memref<!tpu.dma_semaphore, #tpu.memory_space<semaphore_mem>>) src(%dma_wait3A_23 : memref<64x1024xf32, #tpu.memory_space<hbm>>) dst(%arg6 : memref<64x1024xf32, #tpu.memory_space<vmem>>)
      %scan3A_24 = arith.constant 0 : i32
      %scan3A_25 = arith.constant 64 : i32
      %scan3A_26 = arith.addi %scan3A_24, %scan3A_25 : i32
      %scan3A_27 = arith.constant 1 : i32
      scf.for %scan3A_29 = %scan3A_24 to %scan3A_26 step %scan3A_27  : i32 {
        %mul3A_30 = arith.constant 16 : i32
        %mul3A_31 = arith.muli %scan3A_29, %mul3A_30 : i32
        %get3A = arith.index_cast %mul3A_31 : i32 to index
        %get3A_32 = tpu.vector_load %arg5[%get3A] {strides = array<i32>} : memref<1024xf32, #tpu.memory_space<vmem>>, vector<16xf32>,
        %get3A_33 = vector.shape_cast %get3A_32 : vector<16xf32> to vector<16xf32>
        %scan3A_34 = arith.constant 0 : i32
        %scan3A_35 = arith.constant 64 : i32
        %scan3A_36 = arith.addi %scan3A_34, %scan3A_35 : i32
        %scan3A_37 = arith.constant 1 : i32
        scf.for %scan3A_39 = %scan3A_34 to %scan3A_36 step %scan3A_37  : i32 {
          %mul3A_40 = arith.constant 16 : i32
          %mul3A_41 = arith.muli %scan3A_29, %mul3A_40 : i32
          %get3A_42 = arith.index_cast %scan3A_39 : i32 to index
          %get3A_43 = arith.index_cast %mul3A_41 : i32 to index
          %get3A_44 = tpu.vector_load %arg6[%get3A_42, %get3A_43] {strides = array<i32>} : memref<64x1024xf32, #tpu.memory_space<vmem>>, vector<1x16xf32>,
          %get3A_45 = vector.shape_cast %get3A_44 : vector<1x16xf32> to vector<16xf32>
          %add3A_46 = arith.addf %get3A_45, %get3A_33 : vector<16xf32>
          %swap3A = arith.index_cast %scan3A_39 : i32 to index
          %swap3A_47 = arith.index_cast %mul3A_41 : i32 to index
          %swap3A_48 = tpu.vector_load %arg6[%swap3A, %swap3A_47] {strides = array<i32>} : memref<64x1024xf32, #tpu.memory_space<vmem>>, vector<1x16xf32>,
          %swap3A_49 = vector.shape_cast %swap3A_48 : vector<1x16xf32> to vector<16xf32>
          %swap3A_50 = vector.shape_cast %add3A_46 : vector<16xf32> to vector<1x16xf32>
          tpu.vector_store %arg6[%swap3A, %swap3A_47], %swap3A_50 {strides = array<i32>} : memref<64x1024xf32, #tpu.memory_space<vmem>>, vector<1x16xf32>,
        }
        %scan3A_38 = arith.constant 64 : i32
      }
      %scan3A_28 = arith.constant 64 : i32
      "tpu.region"() ({
        %run_scoped3A = tpu.sem_alloc : memref<!tpu.dma_semaphore, #tpu.memory_space<semaphore_mem>>
        %dma_start3A_29 = arith.constant 0 : i32
        %dma_start3A_30 = arith.constant 0 : i32
        %dma_start3A_31 = tpu.memref_slice %arg4[%dma_start3A_29, %add3A_9, %dma_start3A_30] : memref<64x768x1024xf32, #tpu.memory_space<hbm>> -> memref<64x1x1024xf32, #tpu.memory_space<hbm>>
        %dma_start3A_32 = tpu.memref_squeeze %dma_start3A_31 : memref<64x1x1024xf32, #tpu.memory_space<hbm>> -> memref<64x1024xf32, #tpu.memory_space<hbm>>
        %dma_start3A_33 = arith.constant 0 : i32
        %dma_start3A_34 = arith.constant 0 : i32
        %dma_start3A_35 = tpu.memref_slice %arg4[%dma_start3A_33, %add3A_9, %dma_start3A_34] : memref<64x768x1024xf32, #tpu.memory_space<hbm>> -> memref<64x1x1024xf32, #tpu.memory_space<hbm>>
        %dma_start3A_36 = tpu.memref_squeeze %dma_start3A_35 : memref<64x1x1024xf32, #tpu.memory_space<hbm>> -> memref<64x1024xf32, #tpu.memory_space<hbm>>
        tpu.enqueue_dma source(%arg6 : memref<64x1024xf32, #tpu.memory_space<vmem>>) target(%dma_start3A_36 : memref<64x1024xf32, #tpu.memory_space<hbm>>) target_semaphore(%run_scoped3A : memref<!tpu.dma_semaphore, #tpu.memory_space<semaphore_mem>>)
        %dma_wait3A_37 = arith.constant 0 : i32
        %dma_wait3A_38 = arith.constant 0 : i32
        %dma_wait3A_39 = tpu.memref_slice %arg4[%dma_wait3A_37, %add3A_9, %dma_wait3A_38] : memref<64x768x1024xf32, #tpu.memory_space<hbm>> -> memref<64x1x1024xf32, #tpu.memory_space<hbm>>
        %dma_wait3A_40 = tpu.memref_squeeze %dma_wait3A_39 : memref<64x1x1024xf32, #tpu.memory_space<hbm>> -> memref<64x1024xf32, #tpu.memory_space<hbm>>
        %dma_wait3A_41 = arith.constant 0 : i32
        %dma_wait3A_42 = arith.constant 0 : i32
        %dma_wait3A_43 = tpu.memref_slice %arg4[%dma_wait3A_41, %add3A_9, %dma_wait3A_42] : memref<64x768x1024xf32, #tpu.memory_space<hbm>> -> memref<64x1x1024xf32, #tpu.memory_space<hbm>>
        %dma_wait3A_44 = tpu.memref_squeeze %dma_wait3A_43 : memref<64x1x1024xf32, #tpu.memory_space<hbm>> -> memref<64x1024xf32, #tpu.memory_space<hbm>>
        tpu.wait_dma2 semaphore(%run_scoped3A : memref<!tpu.dma_semaphore, #tpu.memory_space<semaphore_mem>>) src(%arg6 : memref<64x1024xf32, #tpu.memory_space<vmem>>) dst(%dma_wait3A_44 : memref<64x1024xf32, #tpu.memory_space<hbm>>)
        tpu.yield
      }) : () -> ()
    }
    %scan3A_5 = arith.constant 24 : i32
    return
  }
}

module attributes {stable_mosaic.version = 14 : i64} {
  func.func @_tbody(%arg0: memref<1024x768xf32, #tpu.memory_space<vmem>>, %arg1: memref<768x1024xf32, #tpu.memory_space<vmem>>) attributes {dimension_semantics = [], scalar_prefetch = 0 : i64, scratch_operands = 0 : i64, tpu.core_type = #tpu.core_type<tc>} {
    %get3A = arith.constant 0 : index
    %get3A_0 = arith.constant 0 : index
    %get3A_1 = vector.load %arg0[%get3A, %get3A_0] : memref<1024x768xf32, #tpu.memory_space<vmem>>, vector<1024x768xf32>
    %transpose3A = tpu.transpose %get3A_1, [1, 0] : vector<1024x768xf32> -> vector<768x1024xf32>
    %swap3A = arith.constant 0 : index
    %swap3A_2 = arith.constant 0 : index
    %swap3A_3 = vector.load %arg1[%swap3A, %swap3A_2] : memref<768x1024xf32, #tpu.memory_space<vmem>>, vector<768x1024xf32>
    tpu.vector_store %arg1[%swap3A, %swap3A_2], %transpose3A {strides = array<i32>} : memref<768x1024xf32, #tpu.memory_space<vmem>>, vector<768x1024xf32>,
    return
  }
}

</mosaic_0001>

<sc_bundles>
// kernel: kernel.4.cloned.1.call-start
scs
__scs_entry_jumppad:
0x0: {  	(pc) =	sbr.rel $0x88, $3  }
0x1: {  	(tag) =	ssettag $0x0;
	lr =	simm.s32 $0x1  }
0x2: {  	[smem:$0x3F9F] =	sst lr;
	_ =	strace $0xD0000000  }
0x3: {  	_ = 	snop  }
0x4: {  	_ = 	snop  }
0x5: {  	_ = 	snop  }
0x6: {  	_ = 	snop  }
0x7: {  	_ = 	snop  }
__scs_overlays_trampoline_lowered:
0x8: {  	[smem:$0x3FAE] =	sst s0  }
0x9: {  	[smem:$0x3FAF] =	sst s1  }
0xa: {  	[smem:$0x3FB0] =	sst s2  }
0xb: {  	[smem:$0x3FB1] =	sst s3  }
0xc: {  	[smem:$0x3FB2] =	sst s4  }
0xd: {  	[smem:$0x3FB3] =	sst s5  }
0xe: {  	[smem:$0x3FB4] =	sst s6  }
0xf: {  	[smem:$0x3FB5] =	sst s7  }
0x10: {  	[smem:$0x3FB6] =	sst s8  }
0x11: {  	[smem:$0x3FB7] =	sst s9;
	s0 =	simm.s32 @!p0 $0x0  }
0x12: {  	s1 =	sld [smem:$0x3F9D];
	s0 =	simm.s32 @p0 $0x1  }
0x13: {  	[smem:$0x3FB8] =	sst s0;
	s0 =	simm.s32 @!p1 $0x0  }
0x14: {  	s2 =	sld [smem:$0x3F9C];
	s0 =	simm.s32 @p1 $0x1  }
0x15: {  	[smem:$0x3FB9] =	sst s0;
	s0 =	simm.s32 @!p2 $0x0  }
0x16: {  	s3 =	sld [smem:$0x3FDB];
	s0 =	simm.s32 @p2 $0x1  }
0x17: {  	s4 =	simm.s32 $0x1BF5;
	[smem:$0x3FBB] =	sst s0  }
0x18: {  	s0 =	sld [smem:$0x3F9E];
	_ =	swait.ge [sflag:s4], $0x0  }
0x19: {  	s7 =	sld [smem:$0x3F9F]  }
0x1a: {  	s8 =	sadd.s32 $0xFFFFE003, lr  }
0x1b: {  	s9 =	sadd.s32 $0xFFFFFEF7, lr;
	s5 =	simm.s32 $0xFFFFFFFF;
	p2 =	slt.u32 s8, $0xFFFFF086  }
0x1c: {  	p1 =	slt.u32 s9, $0xF7A;
	s5 =	simm.s32 @!p2 $0x0  }
0x1d: {  	s5 =	simm.s32 @p1 $0x1;
	p0 =	seq.s32 s7, s2  }
0x1e: {  	s7 =	smul.u32 @!p0 $0xF7A, s2;
	p2 =	seq.s32 @!p0 s5, $0x0  }
0x1f: {  	s9 =	smul.u32 $0xF7A, s1;
	s8 =	simm.s32 @!p0 $0x1BF5;
	p2 =	por !p2, p0  }
0x20: {  	[sflag:s8] =	ssyncset.s32 @!p0 $0xFFFFF086;
	s6 =	sadd.s32 @!p0 s3, s7;
	s7 =	simm.s32 @!p0 $0x108  }
0x21: {  	s3 =	sadd.s32 s3, s9;
	s6 =	sadd.s32 @!p0 $0x88, s6;
	s7 =	simm.s32 @p2 $0x1082  }
0x22: {  	[simem:s7], [sflag:s8] =	dma.local @!p0 [hbm:s6], $0xF7A  }
0x23: {  	s9 =	sor.u32 $0xD0000000, s2;
	s6 =	simm.s32 $0x108;
	_ =	swait.ge @!p0 [sflag:s8], $0x0  }
0x24: {  	s3 =	sadd.s32 $0x88, s3;
	s6 =	simm.s32 @!p1 $0x1082;
	[sflag:s4] =	ssyncset.s32 $0xFFFFF086  }
0x25: {  	[simem:s6], [sflag:s4] =	dma.local [hbm:s3], $0xF7A  }
0x26: {  	[smem:$0x3F9F] =	sst s1;
	(tag) =	ssettag s2;
	_ =	strace s9  }
0x27: {  	s1 =	sld [smem:$0x3FAF]  }
0x28: {  	s2 =	sld [smem:$0x3FB0]  }
0x29: {  	s4 =	sld [smem:$0x3FB2]  }
0x2a: {  	p0 =	seq.s32 s5, $0x0;
	s5 =	sld [smem:$0x3FB3]  }
0x2b: {  	s6 =	sld [smem:$0x3FB4]  }
0x2c: {  	s7 =	sld [smem:$0x3FB5]  }
0x2d: {  	s3 =	simm.s32 $0x108;
	s8 =	sld [smem:$0x3FB6]  }
0x2e: {  	s3 =	simm.s32 @!p0 $0x1082;
	s9 =	sld [smem:$0x3FB7]  }
0x2f: {  	lr =	sadd.s32 s0, s3;
	s0 =	sld [smem:$0x3FAE]  }
0x30: {  	s3 =	sld [smem:$0x3FB1]  }
0x31: {  	[smem:$0x3FBA] =	sst s10  }
0x32: {  	s10 =	sld [smem:$0x3FB8];
	_ =	sdelay $0x3  }
0x33: {  	p0 =	seq.s32 s10, $0x1;
	s10 =	sld [smem:$0x3FBA];
	_ =	sdelay $0x3  }
0x34: {  	[smem:$0x3FBA] =	sst s10  }
0x35: {  	s10 =	sld [smem:$0x3FB9];
	_ =	sdelay $0x3  }
0x36: {  	p1 =	seq.s32 s10, $0x1;
	s10 =	sld [smem:$0x3FBA];
	_ =	sdelay $0x3  }
0x37: {  	[smem:$0x3FBA] =	sst s10  }
0x38: {  	s10 =	sld [smem:$0x3FBB]  }
0x39: {  	_ = 	snop;
	(pc) =	sbr.ind lr, $3  }
0x3a: {  	_ = 	snop  }
0x3b: {  	_ = 	snop  }
0x3c: {  	p2 =	seq.s32 s10, $0x1;
	s10 =	sld [smem:$0x3FBA]  }
0x3d: {  	_ =	shalt  }
0x3e: {  	_ =	shalt  }
0x3f: {  	_ =	shalt  }
0x40: {  	_ =	shalt  }
0x41: {  	_ =	shalt  }
0x42: {  	_ =	shalt  }
0x43: {  	_ =	shalt  }
0x44: {  	_ =	shalt  }
0x45: {  	_ =	shalt  }
0x46: {  	_ =	shalt  }
0x47: {  	_ =	shalt  }
0x48: {  	_ =	shalt  }
0x49: {  	_ =	shalt  }
0x4a: {  	_ =	shalt  }
0x4b: {  	_ =	shalt  }
0x4c: {  	_ =	shalt  }
0x4d: {  	_ =	shalt  }
0x4e: {  	_ =	shalt  }
0x4f: {  	_ =	shalt  }
0x50: {  	_ =	shalt  }
0x51: {  	_ =	shalt  }
0x52: {  	_ =	shalt  }
0x53: {  	_ =	shalt  }
0x54: {  	_ =	shalt  }
0x55: {  	_ =	shalt  }
0x56: {  	_ =	shalt  }
0x57: {  	_ =	shalt  }
0x58: {  	_ =	shalt  }
0x59: {  	_ =	shalt  }
0x5a: {  	_ =	shalt  }
0x5b: {  	_ =	shalt  }
0x5c: {  	_ =	shalt  }
0x5d: {  	_ =	shalt  }
0x5e: {  	_ =	shalt  }
0x5f: {  	_ =	shalt  }
0x60: {  	_ =	shalt  }
0x61: {  	_ =	shalt  }
0x62: {  	_ =	shalt  }
0x63: {  	_ =	shalt  }
0x64: {  	_ =	shalt  }
0x65: {  	_ =	shalt  }
0x66: {  	_ =	shalt  }
0x67: {  	_ =	shalt  }
0x68: {  	_ =	shalt  }
0x69: {  	_ =	shalt  }
0x6a: {  	_ =	shalt  }
0x6b: {  	_ =	shalt  }
0x6c: {  	_ =	shalt  }
0x6d: {  	_ =	shalt  }
0x6e: {  	_ =	shalt  }
0x6f: {  	_ =	shalt  }
0x70: {  	_ =	shalt  }
0x71: {  	_ =	shalt  }
0x72: {  	_ =	shalt  }
0x73: {  	_ =	shalt  }
0x74: {  	_ =	shalt  }
0x75: {  	_ =	shalt  }
0x76: {  	_ =	shalt  }
0x77: {  	_ =	shalt  }
0x78: {  	_ =	shalt  }
0x79: {  	_ =	shalt  }
0x7a: {  	_ =	shalt  }
0x7b: {  	_ =	shalt  }
0x7c: {  	_ =	shalt  }
0x7d: {  	_ =	shalt  }
0x7e: {  	_ =	shalt  }
0x7f: {  	_ =	shalt  }
0x80: {  	_ =	shalt  }
0x81: {  	_ =	shalt  }
0x82: {  	_ =	shalt  }
0x83: {  	_ =	shalt  }
0x84: {  	_ =	shalt  }
0x85: {  	_ =	shalt  }
0x86: {  	_ =	shalt  }
0x87: {  	_ =	shalt  }
.Lfunc_end0:
.L_simem_size_0:
called_computation_lowered:
.L_overlay_start_0:
0x88: {  	s2 =	sld [smem:$0x3FD9]  }
0x89: {  	s3 =	sld [smem:$0x3FFE];
	_ =	sdelay $0x1  }
0x8a: {  	s1 =	srdreg.scid  }
0x8b: {  	s0 =	sand.u32 $0x1, s1  }
0x8c: {  	s17 =	sshll.u32 s0, $0xA;
	s2 =	sadd.s32 s3, s2  }
0x8d: {  	s2 =	sadd.s32 s2, s17  }
0x8e: {  	[smem:$0x3FC6] =	sst s2  }
0x8f: {  	_ = 	snop  }
0x90: {  	s2 =	sld [smem:$0x3FC9]  }
0x91: {  	s18 =	sld [smem:$0x3FD0];
	(tm) =	ssettm $0x1  }
0x92: {  	s4 =	sld [smem:$0x3FFB];
	_ =	sdelay $0x3  }
0x93: {  	_ =	strace s4  }
0x94: {  	s4 =	sld [smem:$0x3FFC];
	_ =	sdelay $0x3  }
0x95: {  	_ =	strace s4  }
0x96: {  	s4 =	sld [smem:$0x3FFD];
	_ =	sdelay $0x3  }
0x97: {  	_ =	strace s4  }
0x98: {  	_ =	strace $0x8FFFFFFF  }
0x99: {  	s19 =	sld [smem:$0x3FDB];
	_ =	sdelay $0x1  }
0x9a: {  	s5 =	simm.s32 $_scs_section_size  }
0x9b: {  	s6 =	simm.s32 $_size__tile_overlayer_lowered;
	s7 =	simm.s32 $_tile_overlayer_lowered  }
0x9c: {  	s22 =	simm.s32 $0x1BFF;
	s21 =	sshll.u32 s7, $0x1;
	s4 =	sadd.s32 s5, s19  }
0x9d: {  	s8 =	simm.s32 $0x0;
	s20 =	sshll.u32 s6, $0x1;
	s6 =	sadd.s32 s21, s4  }
0x9e: {  	[timem:s8], [sflag:s22] =	dma.local [hbm:s6], s20  }
0x9f: {  	_ =	swait.ge [sflag:s22], s20  }
0xa0: {  	s5 =	ssub.s32 $0x0, s20;
	[sflag:s22] =	ssyncset.done $0x0  }
0xa1: {  	[sflag:s22] =	ssyncadd.s32 s5;
	_ =	sdelay $0x1  }
0xa2: {  	s23 =	simm.s32 $0x1B8B  }
0xa3: {  	_ =	swait.ge [sflag:s23], $0x1  }
0xa4: {  	[sflag:s23] =	ssyncset.done $0x0  }
0xa5: {  	s25 =	simm.s32 $0x1B8E;
	s24 =	sld [smem:$0x3FFE];
	[sflag:s23] =	ssyncadd.s32 $0xFFFFFFFF  }
0xa6: {  	s26 =	simm.s32 $execute0_lowered;
	[smem:$0x3FD2] =	sst s25  }
0xa7: {  	s6 =	sshll.u32 s26, $0x1;
	_ =	strace $0x80000046;
	[dreg:$0x1] =	wrdreg $0xFFFFFFFF  }
0xa8: {  	s28 =	simm.s32 $_size_execute0_lowered;
	s4 =	sadd.s32 s4, s6;
	[dreg:$0x0] =	wrdreg $0x0  }
0xa9: {  	s6 =	sshll.u32 s28, $0x1;
	[dreg:$0x2] =	wrdreg s4  }
0xaa: {  	[dreg:$0x3] =	wrdreg s6  }
0xab: {  	[dreg:$0x4] =	wrdreg $0xC0  }
0xac: {  	_ =	task [dreg:s8], $0x5FFFF  }
0xad: {  	[dreg:$0x1] =	wrdreg $0xFFFFFFFF  }
0xae: {  	[dreg:$0x0] =	wrdreg $0x60  }
0xaf: {  	[dreg:$0x2] =	wrdreg s2  }
0xb0: {  	[dreg:$0x3] =	wrdreg s24  }
0xb1: {  	[dreg:$0x4] =	wrdreg s18  }
0xb2: {  	[dreg:$0x5] =	wrdreg $0x9  }
0xb3: {  	_ =	task.clear_ibuf [dreg:s8], $0x6FFFF;
	_ =	strace $0x90000046  }
0xb4: {  	s29 =	simm.s32 $0x9;
	_ =	strace $0x80000048  }
0xb5: {  	_ =	swait.ge [sflag:s29], $0x1  }
0xb6: {  	[sflag:s29] =	ssyncadd.s32 $0xFFFFFFFF  }
0xb7: {  	_ =	strace $0x90000048  }
0xb8: {  	_ =	sfence  }
0xb9: {  	s30 =	sld [smem:$0x0];
	_ =	sdelay $0x2  }
0xba: {  	s31 =	sshll.u32 s1, $0xD;
	s1 =	sshrl.u32 s1, $0x2  }
0xbb: {  	s3 =	sand.u32 $0x4000, s31;
	s1 =	sadd.s32 s1, s30  }
0xbc: {  	s0 =	sor.u32 s3, s0;
	s1 =	sshll.u32 s1, $0x11  }
0xbd: {  	s0 =	sor.u32 s1, s0  }
0xbe: {  	s0 =	sadd.s32 $0x8F2B, s0  }
0xbf: {  	[sflag:s0] =	ssyncadd.remote.s32 $0x1  }
0xc0: {  	_ =	sfence.sel $0xFFFF  }
0xc1: {  	[dreg:$0x0] =	wrdreg $0xFFFFFFFF;
	(pc) =	sbr.abs _section_cstart, $3  }
0xc2: {  	[dreg:$0x1] =	wrdreg $0xFFFFFFFF  }
0xc3: {  	_ =	task.clear_ibuf [dreg:s8], $0x2FFFF;
	_ =	strace $0x9FFFFFFF  }
0xc4: {  	(tm) =	ssettm $0x7FFFFFFF  }
0xc5: {  	_ =	shalt  }
tec
execute0_lowered:
.L_overlay_start_1:
0x0: {  	(tag) =	ssettag $0x1  }
0x1: {  	s1 =	rddreg [dreg:$0x0]  }
0x2: {  	s5 =	rddreg [dreg:$0x1]  }
0x3: {  	s3 =	rddreg [dreg:$0x2]  }
0x4: {  	s0 =	rddreg [dreg:$0x3];
	s6 =	srdreg.scid  }
0x5: {  	s4 =	simm.s32 $0x0;
	s2 =	stileid.u32;
	s10 =	simm.s32 $0x2  }
0x6: {  	s11 =	simm.s32 $0xC0000;
	s12 =	simm.s32 $0x1;
	s6 =	sand.u32 $0x1, s6  }
0x7: {  	[smem:$0x7FF] =	sst s4;
	s8 =	sshll.u32 s2, $0x1;
	s7 =	ssub.s32 $0x2, s6  }
0x8: {  	s5 =	sadd.s32 $0x800, s5;
	_ =	strace $0x80000047;
	s9 =	sshrl.u32 s7, $0x1  }
0x9: {  	s6 =	sor.u32 s6, s8;
	s8 =	simm.s32 $0x80;
	s7 =	ssub.s32 s7, s9  }
0xa: {  	s6 =	smul.u32 $0x18, s6;
	s9 =	simm.s32 $0x400;
	s7 =	smax.u32 s7, $0x1  }
.LBB2_1:
0xb: {  	s13 =	simm.s32 $0x0  }
.LBB2_2:
0xc: {  	s14 =	sadd.s32 s6, s13  }
0xd: {  	s15 =	sshll.u32 s13, $0x4;
	s14 =	sshll.u32 s14, $0x7  }
0xe: {  	s15 =	sand.u32 $0x70, s15;
	s14 =	sand.u32 $0xFFFFC00, s14  }
0xf: {  	s14 =	sor.u32 s15, s14  }
0x10: {  	s16 =	simm.s32 $0x0;
	s15 =	sadd.s32 s5, s14  }
0x11: {  	[tilespmem:s16], [sflag:$0x2] =	stream.strided.gather [hbm4b:s15+s8], $0x400, s9, s8, $0x38;
	[tilespmem:$0x10400] =	vst v63  }
0x12: {  	_ =	swait.ge [sflag:s10], $0x400  }
0x13: {  	[sflag:s10] =	ssyncset.done $0x0  }
0x14: {  	s19 =	simm.s32 $0x400;
	s16 =	sadd.s32 s1, s14;
	[sflag:s10] =	ssyncadd.s32 $0xFFFFFC00  }
0x15: {  	[tilespmem:s19], [sflag:$0x1] =	stream.strided.gather [hbm4b:s16+s8], $0x400, s11, s8, $0x38;
	[tilespmem:$0x10400] =	vst v63  }
0x16: {  	s17 =	simm.s32 $0x800;
	s20 =	sadd.s32 $0x80, s16  }
0x17: {  	[tilespmem:s17], [sflag:$0x1] =	stream.strided.gather [hbm4b:s20+s8], $0x400, s11, s8, $0x38;
	[tilespmem:$0x10400] =	vst v63  }
0x18: {  	s22 =	simm.s32 $0xC00;
	s24 =	simm.s32 $0x1000;
	s21 =	sadd.s32 $0x100, s16  }
0x19: {  	[tilespmem:s22], [sflag:$0x1] =	stream.strided.gather [hbm4b:s21+s8], $0x400, s11, s8, $0x38;
	[tilespmem:$0x10400] =	vst v63  }
0x1a: {  	s26 =	simm.s32 $0x1400;
	s29 =	simm.s32 $0x1800;
	s23 =	sadd.s32 $0x180, s16  }
0x1b: {  	[tilespmem:s24], [sflag:$0x1] =	stream.strided.gather [hbm4b:s23+s8], $0x400, s11, s8, $0x38;
	[tilespmem:$0x10400] =	vst v63  }
0x1c: {  	s31 =	simm.s32 $0x1C00;
	s15 =	simm.s32 $0x2000;
	s25 =	sadd.s32 $0x200, s16  }
0x1d: {  	[tilespmem:s26], [sflag:$0x1] =	stream.strided.gather [hbm4b:s25+s8], $0x400, s11, s8, $0x38;
	[tilespmem:$0x10400] =	vst v63  }
0x1e: {  	s28 =	sadd.s32 $0x280, s16;
	s30 =	sadd.s32 $0x300, s16;
	s18 =	sadd.s32 $0x380, s16  }
0x1f: {  	[tilespmem:s29], [sflag:$0x1] =	stream.strided.gather [hbm4b:s28+s8], $0x400, s11, s8, $0x38;
	[tilespmem:$0x10400] =	vst v63  }
0x20: {  	s19 =	simm.s32 $0x2000;
	s16 =	sadd.s32 $0xC0000, s16;
	s17 =	simm.s32 $0x10000  }
0x21: {  	[tilespmem:s31], [sflag:$0x1] =	stream.strided.gather [hbm4b:s30+s8], $0x400, s11, s8, $0x38;
	[tilespmem:$0x10400] =	vst v63  }
.LBB2_3:
0x22: {  	[tilespmem:s19], [sflag:$0x1] =	stream.strided.gather [hbm4b:s18+s8], $0x400, s11, s8, $0x38;
	[tilespmem:$0x10400] =	vst v63  }
0x23: {  	s19 =	smov.u32 s15;
	s15 =	smov.u32 s17  }
0x24: {  	s20 =	sadd.s32 $0x8000, s17;
	s15 =	sshra.s32 s15, $0x2;
	s18 =	sadd.s32 $0x400, s19  }
0x25: {  	[tilespmem:s18], [sflag:$0x1] =	stream.strided.gather [hbm4b:s16+s8], $0x400, s11, s8, $0x38;
	[tilespmem:$0x10400] =	vst v63  }
0x26: {  	p0 =	sne.s32 s17, $0x38000;
	s17 =	sadd.s32 $0x80, s16;
	s18 =	sadd.s32 $0x800, s19  }
0x27: {  	[tilespmem:s18], [sflag:$0x1] =	stream.strided.gather [hbm4b:s17+s8], $0x400, s11, s8, $0x38;
	[tilespmem:$0x10400] =	vst v63  }
0x28: {  	s17 =	sadd.s32 $0x100, s16;
	s18 =	sadd.s32 $0xC00, s19  }
0x29: {  	[tilespmem:s18], [sflag:$0x1] =	stream.strided.gather [hbm4b:s17+s8], $0x400, s11, s8, $0x38;
	[tilespmem:$0x10400] =	vst v63  }
0x2a: {  	s17 =	sadd.s32 $0x180, s16;
	s18 =	sadd.s32 $0x1000, s19  }
0x2b: {  	[tilespmem:s18], [sflag:$0x1] =	stream.strided.gather [hbm4b:s17+s8], $0x400, s11, s8, $0x38;
	[tilespmem:$0x10400] =	vst v63  }
0x2c: {  	s17 =	sadd.s32 $0x200, s16;
	s18 =	sadd.s32 $0x1400, s19  }
0x2d: {  	[tilespmem:s18], [sflag:$0x1] =	stream.strided.gather [hbm4b:s17+s8], $0x400, s11, s8, $0x38;
	[tilespmem:$0x10400] =	vst v63  }
.Ltmp0:
0x2e: {  	s17 =	sadd.s32 $0x280, s16;
	s18 =	sadd.s32 $0x1800, s19;
	(pc) =	sbr.rel @p0 .LBB2_3-.Ltmp0, $4  }
0x2f: {  	[tilespmem:s18], [sflag:$0x1] =	stream.strided.gather [hbm4b:s17+s8], $0x400, s11, s8, $0x38;
	[tilespmem:$0x10400] =	vst v63  }
0x30: {  	s17 =	sadd.s32 $0x300, s16;
	s18 =	sadd.s32 $0x1C00, s19;
	s19 =	sadd.s32 $0x2000, s19  }
0x31: {  	[tilespmem:s18], [sflag:$0x1] =	stream.strided.gather [hbm4b:s17+s8], $0x400, s11, s8, $0x38;
	[tilespmem:$0x10400] =	vst v63  }
0x32: {  	s18 =	sadd.s32 $0x380, s16;
	s16 =	sadd.s32 $0xC0000, s16;
	s17 =	smov.u32 s20  }
0x33: {  	[tilespmem:s19], [sflag:$0x1] =	stream.strided.gather [hbm4b:s18+s8], $0x400, s11, s8, $0x38;
	[tilespmem:$0x10400] =	vst v63  }
0x34: {  	s17 =	sadd.s32 $0x400, s15  }
0x35: {  	[tilespmem:s17], [sflag:$0x1] =	stream.strided.gather [hbm4b:s16+s8], $0x400, s11, s8, $0x38;
	[tilespmem:$0x10400] =	vst v63  }
0x36: {  	s30 =	sadd.s32 $0x80, s16;
	s31 =	sadd.s32 $0x800, s15  }
0x37: {  	[tilespmem:s31], [sflag:$0x1] =	stream.strided.gather [hbm4b:s30+s8], $0x400, s11, s8, $0x38;
	[tilespmem:$0x10400] =	vst v63  }
0x38: {  	s19 =	sadd.s32 $0x100, s16;
	s20 =	sadd.s32 $0xC00, s15  }
0x39: {  	[tilespmem:s20], [sflag:$0x1] =	stream.strided.gather [hbm4b:s19+s8], $0x400, s11, s8, $0x38;
	[tilespmem:$0x10400] =	vst v63  }
0x3a: {  	s21 =	sadd.s32 $0x180, s16;
	s22 =	sadd.s32 $0x1000, s15  }
0x3b: {  	[tilespmem:s22], [sflag:$0x1] =	stream.strided.gather [hbm4b:s21+s8], $0x400, s11, s8, $0x38;
	[tilespmem:$0x10400] =	vst v63  }
0x3c: {  	s23 =	sadd.s32 $0x200, s16;
	s24 =	sadd.s32 $0x1400, s15  }
0x3d: {  	[tilespmem:s24], [sflag:$0x1] =	stream.strided.gather [hbm4b:s23+s8], $0x400, s11, s8, $0x38;
	[tilespmem:$0x10400] =	vst v63  }
0x3e: {  	s25 =	sadd.s32 $0x280, s16;
	s26 =	sadd.s32 $0x1800, s15  }
0x3f: {  	[tilespmem:s26], [sflag:$0x1] =	stream.strided.gather [hbm4b:s25+s8], $0x400, s11, s8, $0x38;
	[tilespmem:$0x10400] =	vst v63  }
0x40: {  	s28 =	sadd.s32 $0x300, s16;
	s29 =	sadd.s32 $0x1C00, s15  }
0x41: {  	[tilespmem:s29], [sflag:$0x1] =	stream.strided.gather [hbm4b:s28+s8], $0x400, s11, s8, $0x38;
	[tilespmem:$0x10400] =	vst v63  }
0x42: {  	s30 =	sadd.s32 $0x380, s16;
	s31 =	sadd.s32 $0x2000, s15  }
0x43: {  	[tilespmem:s31], [sflag:$0x1] =	stream.strided.gather [hbm4b:s30+s8], $0x400, s11, s8, $0x38;
	[tilespmem:$0x10400] =	vst v63  }
0x44: {  	_ =	swait.ge [sflag:s12], $0x10000  }
0x45: {  	[sflag:s12] =	ssyncset.done $0x0  }
0x46: {  	s15 =	simm.s32 $0x0;
	s16 =	simm.s32 $0x0;
	[sflag:s12] =	ssyncadd.s32 $0xFFFF0000  }
.LBB2_5:
0x47: {  	s18 =	sshll.u32 s16, $0x4  }
0x48: {  	s17 =	sand.u32 $0x70, s18  }
0x49: {  	s19 =	sshll.u32 s16, $0x7;
	v0 =	vmov s17  }
0x4a: {  	s29 =	sand.u32 $0x1C00, s19  }
0x4b: {  	s30 =	sand.u32 $0xE000, s15;
	s17 =	sadd.s32 $0x400, s29  }
0x4c: {  	s20 =	sand.u32 $0x380, s15;
	s19 =	sadd.s32 s30, s17  }
0x4d: {  	v1 =	vld [tilespmem:s18+$0x0];
	s18 =	sadd.s32 s20, s19  }
0x4e: {  	v2 =	vld.idx.msk [tilespmem:v0+s18+$0x0 ss:$0x1], $0xffff;
	_ =	sdelay $0x3  }
0x4f: {  	s31 =	simm.s32 $0x400  }
0x50: {  	s21 =	sand.u32 $0xE000, s31;
	s19 =	simm.s32 $0x800;
	s20 =	simm.s32 $0x80;
	v2 =	vadd.f32 v2, v1  }
.LBB2_6:
0x51: {  	p0 =	sne.s32 s19, $0xFC00;
	s22 =	sand.u32 $0x380, s20;
	s21 =	sadd.s32 s21, s17  }
0x52: {  	[tilespmem:v0+s18+$0x0 ss:$0x1] =	vst.idx.msk $0xffff, v2;
	s18 =	sadd.s32 s22, s21  }
0x53: {  	v2 =	vld.idx.msk [tilespmem:v0+s18+$0x0 ss:$0x1], $0xffff;
	_ =	sdelay $0x1  }
.Ltmp1:
0x54: {  	(pc) =	sbr.rel @p0 .LBB2_6-.Ltmp1, $2  }
0x55: {  	_ =	sdelay $0x2  }
0x56: {  	s20 =	sadd.s32 $0x80, s20;
	s21 =	sand.u32 $0xE000, s19;
	s19 =	sadd.s32 $0x400, s19;
	v2 =	vadd.f32 v2, v1  }
0x57: {  	_ =	sdelay $0x2  }
0x58: {  	s19 =	sand.u32 $0x380, s20;
	s17 =	sadd.s32 s21, s17  }
0x59: {  	s17 =	sadd.s32 s19, s17;
	[tilespmem:v0+s18+$0x0 ss:$0x1] =	vst.idx.msk $0xffff, v2  }
0x5a: {  	v2 =	vld.idx.msk [tilespmem:v0+s17+$0x0 ss:$0x1], $0xffff  }
0x5b: {  	s16 =	sadd.s32 $0x1, s16  }
0x5c: {  	p0 =	sne.s32 s16, $0x40  }
.Ltmp2:
0x5d: {  	_ = 	snop;
	(pc) =	sbr.rel @p0 .LBB2_5-.Ltmp2, $3  }
0x5e: {  	_ = 	snop  }
0x5f: {  	v1 =	vadd.f32 v2, v1;
	_ =	sdelay $0x1  }
0x60: {  	[tilespmem:v0+s17+$0x0 ss:$0x1] =	vst.idx.msk $0xffff, v1  }
0x61: {  	s15 =	sadd.s32 s3, s14;
	s19 =	simm.s32 $0x400  }
0x62: {  	[hbm4b:s15+s8] =	stream.strided.scatter [tilespmem:s19], [sflag:$0x2], $0x400, s11, s8, $0x38;
	[tilespmem:$0x10400] =	vst v63  }
0x63: {  	s20 =	simm.s32 $0x800;
	s16 =	sadd.s32 $0x80, s15  }
0x64: {  	[hbm4b:s16+s8] =	stream.strided.scatter [tilespmem:s20], [sflag:$0x2], $0x400, s11, s8, $0x38;
	[tilespmem:$0x10400] =	vst v63  }
0x65: {  	s21 =	simm.s32 $0xC00;
	s23 =	simm.s32 $0x1000;
	s22 =	sadd.s32 $0x100, s15  }
0x66: {  	[hbm4b:s22+s8] =	stream.strided.scatter [tilespmem:s21], [sflag:$0x2], $0x400, s11, s8, $0x38;
	[tilespmem:$0x10400] =	vst v63  }
0x67: {  	s25 =	simm.s32 $0x1400;
	s28 =	simm.s32 $0x1800;
	s24 =	sadd.s32 $0x180, s15  }
0x68: {  	[hbm4b:s24+s8] =	stream.strided.scatter [tilespmem:s23], [sflag:$0x2], $0x400, s11, s8, $0x38;
	[tilespmem:$0x10400] =	vst v63  }
0x69: {  	s30 =	simm.s32 $0x1C00;
	s14 =	simm.s32 $0x2000;
	s26 =	sadd.s32 $0x200, s15  }
0x6a: {  	[hbm4b:s26+s8] =	stream.strided.scatter [tilespmem:s25], [sflag:$0x2], $0x400, s11, s8, $0x38;
	[tilespmem:$0x10400] =	vst v63  }
0x6b: {  	s17 =	simm.s32 $0x2000;
	s29 =	sadd.s32 $0x280, s15;
	s31 =	sadd.s32 $0x300, s15  }
0x6c: {  	[hbm4b:s29+s8] =	stream.strided.scatter [tilespmem:s28], [sflag:$0x2], $0x400, s11, s8, $0x38;
	[tilespmem:$0x10400] =	vst v63  }
0x6d: {  	s18 =	sadd.s32 $0x380, s15;
	s15 =	sadd.s32 $0xC0000, s15;
	s16 =	simm.s32 $0x10000  }
0x6e: {  	[hbm4b:s31+s8] =	stream.strided.scatter [tilespmem:s30], [sflag:$0x2], $0x400, s11, s8, $0x38;
	[tilespmem:$0x10400] =	vst v63  }
.LBB2_9:
0x6f: {  	[hbm4b:s18+s8] =	stream.strided.scatter [tilespmem:s17], [sflag:$0x2], $0x400, s11, s8, $0x38;
	[tilespmem:$0x10400] =	vst v63  }
0x70: {  	s17 =	smov.u32 s14;
	s14 =	smov.u32 s16  }
0x71: {  	s19 =	sadd.s32 $0x8000, s16;
	s14 =	sshra.s32 s14, $0x2;
	s18 =	sadd.s32 $0x400, s17  }
0x72: {  	[hbm4b:s15+s8] =	stream.strided.scatter [tilespmem:s18], [sflag:$0x2], $0x400, s11, s8, $0x38;
	[tilespmem:$0x10400] =	vst v63  }
0x73: {  	p0 =	sne.s32 s16, $0x38000;
	s16 =	sadd.s32 $0x800, s17;
	s18 =	sadd.s32 $0x80, s15  }
0x74: {  	[hbm4b:s18+s8] =	stream.strided.scatter [tilespmem:s16], [sflag:$0x2], $0x400, s11, s8, $0x38;
	[tilespmem:$0x10400] =	vst v63  }
0x75: {  	s16 =	sadd.s32 $0xC00, s17;
	s18 =	sadd.s32 $0x100, s15  }
0x76: {  	[hbm4b:s18+s8] =	stream.strided.scatter [tilespmem:s16], [sflag:$0x2], $0x400, s11, s8, $0x38;
	[tilespmem:$0x10400] =	vst v63  }
0x77: {  	s16 =	sadd.s32 $0x1000, s17;
	s18 =	sadd.s32 $0x180, s15  }
0x78: {  	[hbm4b:s18+s8] =	stream.strided.scatter [tilespmem:s16], [sflag:$0x2], $0x400, s11, s8, $0x38;
	[tilespmem:$0x10400] =	vst v63  }
0x79: {  	s16 =	sadd.s32 $0x1400, s17;
	s18 =	sadd.s32 $0x200, s15  }
0x7a: {  	[hbm4b:s18+s8] =	stream.strided.scatter [tilespmem:s16], [sflag:$0x2], $0x400, s11, s8, $0x38;
	[tilespmem:$0x10400] =	vst v63  }
.Ltmp3:
0x7b: {  	s16 =	sadd.s32 $0x1800, s17;
	s18 =	sadd.s32 $0x280, s15;
	(pc) =	sbr.rel @p0 .LBB2_9-.Ltmp3, $4  }
0x7c: {  	[hbm4b:s18+s8] =	stream.strided.scatter [tilespmem:s16], [sflag:$0x2], $0x400, s11, s8, $0x38;
	[tilespmem:$0x10400] =	vst v63  }
0x7d: {  	s16 =	sadd.s32 $0x1C00, s17;
	s18 =	sadd.s32 $0x300, s15;
	s17 =	sadd.s32 $0x2000, s17  }
0x7e: {  	[hbm4b:s18+s8] =	stream.strided.scatter [tilespmem:s16], [sflag:$0x2], $0x400, s11, s8, $0x38;
	[tilespmem:$0x10400] =	vst v63  }
0x7f: {  	s18 =	sadd.s32 $0x380, s15;
	s15 =	sadd.s32 $0xC0000, s15;
	s16 =	smov.u32 s19  }
0x80: {  	[hbm4b:s18+s8] =	stream.strided.scatter [tilespmem:s17], [sflag:$0x2], $0x400, s11, s8, $0x38;
	[tilespmem:$0x10400] =	vst v63  }
0x81: {  	s16 =	sadd.s32 $0x400, s14  }
0x82: {  	[hbm4b:s15+s8] =	stream.strided.scatter [tilespmem:s16], [sflag:$0x2], $0x400, s11, s8, $0x38;
	[tilespmem:$0x10400] =	vst v63  }
0x83: {  	s17 =	sadd.s32 $0x800, s14;
	s18 =	sadd.s32 $0x80, s15  }
0x84: {  	[hbm4b:s18+s8] =	stream.strided.scatter [tilespmem:s17], [sflag:$0x2], $0x400, s11, s8, $0x38;
	[tilespmem:$0x10400] =	vst v63  }
0x85: {  	s19 =	sadd.s32 $0xC00, s14;
	s20 =	sadd.s32 $0x100, s15  }
0x86: {  	[hbm4b:s20+s8] =	stream.strided.scatter [tilespmem:s19], [sflag:$0x2], $0x400, s11, s8, $0x38;
	[tilespmem:$0x10400] =	vst v63  }
0x87: {  	s21 =	sadd.s32 $0x1000, s14;
	s22 =	sadd.s32 $0x180, s15  }
0x88: {  	[hbm4b:s22+s8] =	stream.strided.scatter [tilespmem:s21], [sflag:$0x2], $0x400, s11, s8, $0x38;
	[tilespmem:$0x10400] =	vst v63  }
0x89: {  	s23 =	sadd.s32 $0x1400, s14;
	s24 =	sadd.s32 $0x200, s15  }
0x8a: {  	[hbm4b:s24+s8] =	stream.strided.scatter [tilespmem:s23], [sflag:$0x2], $0x400, s11, s8, $0x38;
	[tilespmem:$0x10400] =	vst v63  }
0x8b: {  	s25 =	sadd.s32 $0x1800, s14;
	s26 =	sadd.s32 $0x280, s15;
	s13 =	sadd.s32 $0x1, s13  }
0x8c: {  	[hbm4b:s26+s8] =	stream.strided.scatter [tilespmem:s25], [sflag:$0x2], $0x400, s11, s8, $0x38;
	[tilespmem:$0x10400] =	vst v63  }
0x8d: {  	s28 =	sadd.s32 $0x1C00, s14;
	s29 =	sadd.s32 $0x300, s15;
	p0 =	sne.s32 s13, $0x18  }
0x8e: {  	[hbm4b:s29+s8] =	stream.strided.scatter [tilespmem:s28], [sflag:$0x2], $0x400, s11, s8, $0x38;
	[tilespmem:$0x10400] =	vst v63  }
.Ltmp4:
0x8f: {  	s30 =	sadd.s32 $0x2000, s14;
	s31 =	sadd.s32 $0x380, s15;
	(pc) =	sbr.rel @p0 .LBB2_2-.Ltmp4, $4  }
0x90: {  	[hbm4b:s31+s8] =	stream.strided.scatter [tilespmem:s30], [sflag:$0x2], $0x400, s11, s8, $0x38;
	[tilespmem:$0x10400] =	vst v63  }
0x91: {  	_ =	swait.ge [sflag:s10], $0x10000  }
0x92: {  	[sflag:s10] =	ssyncset.done $0x0  }
0x93: {  	[sflag:s10] =	ssyncadd.s32 $0xFFFF0000  }
0x94: {  	s4 =	sadd.s32 $0x1, s4  }
0x95: {  	p0 =	sne.s32 s4, s7  }
.Ltmp5:
0x96: {  	_ = 	snop;
	(pc) =	sbr.rel @p0 .LBB2_1-.Ltmp5, $1  }
0x97: {  	_ =	sdelay $0x3  }
0x98: {  	_ =	sfence.sel $0x180000  }
0x99: {  	[bflag:$0x0] =	sbarrier.arrive $0xFFFF  }
0x9a: {  	p0 =	sne.s32 s2, $0x0;
	_ =	strace $0x90000047  }
0x9b: {  	s0 =	sadd.s32 @!p0 $0x100000, s0;
	[bflag:$0x2] =	sbarrier.arrive $0xFFFF  }
0x9c: {  	[sflag:s0] =	ssyncadd.tile.s32 @!p0 $0x1;
	_ =	shalt  }
.Lfunc_end2:
_tile_overlayer_lowered:
.L_overlay_start_2:
0x9d: {  	(tag) =	ssettag $0x2  }
0x9e: {  	s0 =	rddreg [dreg:$0x0];
	s2 =	stileid.u32  }
0x9f: {  	s1 =	rddreg [dreg:$0x1];
	p0 =	sne.s32 s2, $0x0  }
0xa0: {  	s3 =	rddreg [dreg:$0x2];
	[bflag:$0x3] =	sbarrier.arrive $0xFFFF;
	s2 =	simm.s32 @!p0 $0x1C02  }
0xa1: {  	[timem:s3], [sflag:s2] =	dma.local @!p0 [hbm:s0], s1  }
0xa2: {  	s0 =	simm.s32 @!p0 $0x2  }
0xa3: {  	_ =	swait.ge @!p0 [sflag:s0], s1  }
0xa4: {  	s1 =	ssub.s32 @!p0 $0x0, s1;
	[sflag:s0] =	ssyncset.done @!p0 $0x0  }
0xa5: {  	[sflag:s0] =	ssyncadd.s32 @!p0 s1  }
0xa6: {  	[bflag:$0x3] =	sbarrier.arrive $0xFFFF  }
0xa7: {  	_ =	shalt  }

</sc_bundles>
